<compile_context>
chip_gen: v7x
topology: tpu7x:2x2x1
jax: 0.10.2.dev20260603
libtpu: 0.0.44.dev20260713+nightly
codegen_flags: <defaults>
</compile_context>

<pallas_src>
import functools

import jax
import jax.numpy as jnp
from jax import lax
from jax.experimental import pallas as pl
from jax.experimental.pallas import tpu as pltpu
from jax.experimental.pallas import tpu_sc as plsc

_FWD_WEIGHT = 1.0

_NW = 32
_CH = 32768


def _sc_body(x_hbm, g_hbm, m_hbm, out_hbm, xb, gb, mb, accv):
    wid = lax.axis_index("s") * 2 + lax.axis_index("c")
    n = x_hbm.shape[0]
    per_w = n // _NW
    base = wid * per_w
    n_chunks = per_w // _CH

    lane = lax.iota(jnp.int32, 16)
    lq = lane >> 2
    sel = [1 - jnp.minimum(jnp.abs(lq - k), 1) for k in range(4)]


    def chunk_body(ci, acc):
        xoff = pl.multiple_of(base + ci * _CH, 8)
        moff = pl.multiple_of((base + ci * _CH) // 8, 8)
        pltpu.sync_copy(x_hbm.at[pl.ds(xoff, _CH)], xb)
        pltpu.sync_copy(g_hbm.at[pl.ds(xoff, _CH)], gb)
        pltpu.sync_copy(m_hbm.at[pl.ds(moff, _CH // 8)], mb.at[pl.ds(0, _CH // 8)])

        def pair_body(p, acc2):
            pr = p // 8
            off = p % 8
            c0 = pr * 256 + 16 * off
            xv0 = xb[pl.ds(c0, 16)]
            gv0 = gb[pl.ds(c0, 16)]
            xv1 = xb[pl.ds(c0 + 128, 16)]
            gv1 = gb[pl.ds(c0 + 128, 16)]
            mwv = mb[pl.ds(pr * 32 + 4 * off, 16)]
            lq = lane >> 2
            mg = (
                mwv[0] * sel[0]
                + mwv[1] * sel[1]
                + mwv[2] * sel[2]
                + mwv[3] * sel[3]
            )
            mbit = (mg >> ((lane & 3) << 3)) & 1
            mf = mbit.astype(jnp.float32)
            d = jnp.abs(xv0 - gv0) + jnp.abs(xv1 - gv1)
            return acc2 + d * mf

        return lax.fori_loop(0, _CH // 32, pair_body, acc)

    acc = lax.fori_loop(0, n_chunks, chunk_body, jnp.zeros((16,), jnp.float32))
    accv[...] = acc
    pltpu.sync_copy(accv, out_hbm.at[wid])


def kernel(uv_points, uv_gt, object_mask):
    B, H, W, C = uv_points.shape
    n = B * H * W * C

    def as_flat(a):
        return (
            a.reshape(B, H, W // 128, 128, C)
            .transpose(0, 1, 2, 4, 3)
            .reshape(n)
        )

    x = as_flat(uv_points)
    g = as_flat(uv_gt)
    m32 = lax.bitcast_convert_type(
        object_mask.view(jnp.uint8).reshape(n // 8, 4), jnp.int32
    )

    mesh = plsc.VectorSubcoreMesh(core_axis_name="c", subcore_axis_name="s")
    run = functools.partial(
        pl.kernel,
        mesh=mesh,
        out_type=jax.ShapeDtypeStruct((_NW, 16), jnp.float32),
        scratch_types=[
            pltpu.VMEM((_CH,), jnp.float32),
            pltpu.VMEM((_CH,), jnp.float32),
            pltpu.VMEM((_CH // 8 + 16,), jnp.int32),
            pltpu.VMEM((16,), jnp.float32),
        ],
    )(_sc_body)
    out = run(x, g, m32)

    uv_loss = jnp.sum(out) / float(B * H)
    return (_FWD_WEIGHT * uv_loss, uv_loss)

# --- scband reference (transcript-rebuilt; emitter-appended) ---
"""Pipeline reference for scband-doc3d-uvfield-loss-16295105921050 (READ-ONLY COPY).

The authoritative reference and input builder live on the scoring server;
editing this copy changes nothing except your own understanding.
"""

import jax, jax.numpy as jnp
import numpy as np

FWD_WEIGHT = 1.0  # init_kwargs: fwd_weight
# loss_mode == 'l1'; scinv_lambda unused in l1 path

def setup_inputs(seed: int = 0) -> dict:
    key = jax.random.key(seed)
    k1, k2, k3 = jax.random.split(key, 3)
    B, H, W = 16, 512, 512
    uv_points = jax.random.normal(k1, (B, H, W, 2), dtype=jnp.float32)
    uv_gt = jax.random.normal(k2, (B, H, W, 2), dtype=jnp.float32)
    object_mask = jax.random.uniform(k3, (B, H, W)) < 0.5
    return {"uv_points": uv_points, "uv_gt": uv_gt, "object_mask": object_mask}

def reference(uv_points, uv_gt, object_mask):
    # torch: uv_outputs[object_mask] gathers masked rows, then L1Loss(reduction='sum')
    # equivalent dense form: sum over masked elements of |pred - gt|
    m = object_mask.astype(uv_points.dtype)[..., None]
    l1_sum = jnp.sum(jnp.abs(uv_points - uv_gt) * m)
    # torch divides by object_mask.shape[0] * object_mask.shape[1] (B * H)
    denom = float(object_mask.shape[0] * object_mask.shape[1])
    uv_loss = l1_sum / denom
    loss = FWD_WEIGHT * uv_loss
    return (loss, uv_loss)

if __name__ == "__main__":
    import jax
    _d = setup_inputs()
    print(jax.jit(kernel)(*tuple(_d.values())))

</pallas_src>

<mosaic_0001>
#map = affine_map<(d0, d1) -> (0)>
#map1 = affine_map<(d0, d1) -> (0, 0)>
module attributes {stable_mosaic.version = 14 : i64} {
  func.func @_sc_body(%arg0: i32, %arg1: i32, %arg2: memref<8388608xf32, #tpu.memory_space<hbm>>, %arg3: memref<8388608xf32, #tpu.memory_space<hbm>>, %arg4: memref<1048576xi32, #tpu.memory_space<hbm>>, %arg5: memref<32x16xf32, #tpu.memory_space<hbm>>, %arg6: memref<32768xf32, #tpu.memory_space<vmem>>, %arg7: memref<32768xf32, #tpu.memory_space<vmem>>, %arg8: memref<4112xi32, #tpu.memory_space<vmem>>, %arg9: memref<16xf32, #tpu.memory_space<vmem>>) attributes {dimension_semantics = [#tpu.dimension_semantics<core_parallel>, #tpu.dimension_semantics<subcore_parallel>], iteration_bounds = array<i64: 2, 16>, scalar_prefetch = 0 : i64, scratch_operands = 4 : i64, tpu.core_type = #tpu.core_type<sc_vector_subcore>, window_params = [{transform_indices = #map}, {transform_indices = #map}, {transform_indices = #map}, {transform_indices = #map1}]} {
    %mul3A = arith.constant 2 : i32
    %mul3A_0 = arith.muli %arg1, %mul3A : i32
    %add3A = arith.addi %mul3A_0, %arg0 : i32
    %mul3A_1 = arith.constant 262144 : i32
    %mul3A_2 = arith.muli %add3A, %mul3A_1 : i32
    %iota3A = tpu.iota {dimensions = array<i32: 0>} : vector<16xi32>
    %shift_right_arithmetic3A = arith.constant 2 : i32
    %shift_right_arithmetic3A_3 = vector.broadcast %shift_right_arithmetic3A : i32 to vector<16xi32>
    %shift_right_arithmetic3A_4 = arith.shrsi %iota3A, %shift_right_arithmetic3A_3 : vector<16xi32>
    %sub3A = arith.constant 0 : i32
    %sub3A_5 = vector.broadcast %sub3A : i32 to vector<16xi32>
    %sub3A_6 = arith.subi %shift_right_arithmetic3A_4, %sub3A_5 : vector<16xi32>
    %abs3A = math.absi %sub3A_6 : vector<16xi32>
    %min3A = arith.constant 1 : i32
    %min3A_7 = vector.broadcast %min3A : i32 to vector<16xi32>
    %min3A_8 = arith.minsi %abs3A, %min3A_7 : vector<16xi32>
    %sub3A_9 = arith.constant 1 : i32
    %sub3A_10 = vector.broadcast %sub3A_9 : i32 to vector<16xi32>
    %sub3A_11 = arith.subi %sub3A_10, %min3A_8 : vector<16xi32>
    %sub3A_12 = arith.constant 1 : i32
    %sub3A_13 = vector.broadcast %sub3A_12 : i32 to vector<16xi32>
    %sub3A_14 = arith.subi %shift_right_arithmetic3A_4, %sub3A_13 : vector<16xi32>
    %abs3A_15 = math.absi %sub3A_14 : vector<16xi32>
    %min3A_16 = arith.constant 1 : i32
    %min3A_17 = vector.broadcast %min3A_16 : i32 to vector<16xi32>
    %min3A_18 = arith.minsi %abs3A_15, %min3A_17 : vector<16xi32>
    %sub3A_19 = arith.constant 1 : i32
    %sub3A_20 = vector.broadcast %sub3A_19 : i32 to vector<16xi32>
    %sub3A_21 = arith.subi %sub3A_20, %min3A_18 : vector<16xi32>
    %sub3A_22 = arith.constant 2 : i32
    %sub3A_23 = vector.broadcast %sub3A_22 : i32 to vector<16xi32>
    %sub3A_24 = arith.subi %shift_right_arithmetic3A_4, %sub3A_23 : vector<16xi32>
    %abs3A_25 = math.absi %sub3A_24 : vector<16xi32>
    %min3A_26 = arith.constant 1 : i32
    %min3A_27 = vector.broadcast %min3A_26 : i32 to vector<16xi32>
    %min3A_28 = arith.minsi %abs3A_25, %min3A_27 : vector<16xi32>
    %sub3A_29 = arith.constant 1 : i32
    %sub3A_30 = vector.broadcast %sub3A_29 : i32 to vector<16xi32>
    %sub3A_31 = arith.subi %sub3A_30, %min3A_28 : vector<16xi32>
    %sub3A_32 = arith.constant 3 : i32
    %sub3A_33 = vector.broadcast %sub3A_32 : i32 to vector<16xi32>
    %sub3A_34 = arith.subi %shift_right_arithmetic3A_4, %sub3A_33 : vector<16xi32>
    %abs3A_35 = math.absi %sub3A_34 : vector<16xi32>
    %min3A_36 = arith.constant 1 : i32
    %min3A_37 = vector.broadcast %min3A_36 : i32 to vector<16xi32>
    %min3A_38 = arith.minsi %abs3A_35, %min3A_37 : vector<16xi32>
    %sub3A_39 = arith.constant 1 : i32
    %sub3A_40 = vector.broadcast %sub3A_39 : i32 to vector<16xi32>
    %sub3A_41 = arith.subi %sub3A_40, %min3A_38 : vector<16xi32>
    %broadcast_in_dim3A = arith.constant 0.000000e+00 : f32
    %broadcast_in_dim3A_42 = vector.broadcast %broadcast_in_dim3A : f32 to vector<16xf32>
    %scan3A = arith.constant 0 : i32
    %scan3A_43 = arith.constant 8 : i32
    %scan3A_44 = arith.addi %scan3A, %scan3A_43 : i32
    %scan3A_45 = arith.constant 1 : i32
    %scan3A_46 = scf.for %scan3A_51 = %scan3A to %scan3A_44 step %scan3A_45 iter_args(%scan3A_52 = %broadcast_in_dim3A_42) -> (vector<16xf32>)  : i32 {
      %mul3A_53 = arith.constant 32768 : i32
      %mul3A_54 = arith.muli %scan3A_51, %mul3A_53 : i32
      %add3A_55 = arith.addi %mul3A_2, %mul3A_54 : i32
      %multiple_of3A = tpu.assume_multiple %add3A_55, 8 : i32
      %mul3A_56 = arith.constant 32768 : i32
      %mul3A_57 = arith.muli %scan3A_51, %mul3A_56 : i32
      %add3A_58 = arith.addi %mul3A_2, %mul3A_57 : i32
      %jit3A = arith.constant 8 : i32
      %div3A = arith.divsi %add3A_58, %jit3A : i32
      %sign3A = arith.constant 0 : i32
      %sign3A_59 = arith.cmpi sgt, %add3A_58, %sign3A : i32
      %sign3A_60 = arith.extui %sign3A_59 : i1 to i32
      %sign3A_61 = arith.constant 0 : i32
      %sign3A_62 = arith.cmpi slt, %add3A_58, %sign3A_61 : i32
      %sign3A_63 = arith.extui %sign3A_62 : i1 to i32
      %sign3A_64 = arith.subi %sign3A_60, %sign3A_63 : i32
      %sign3A_65 = arith.constant 0 : i32
      %sign3A_66 = arith.cmpi sgt, %jit3A, %sign3A_65 : i32
      %sign3A_67 = arith.extui %sign3A_66 : i1 to i32
      %sign3A_68 = arith.constant 0 : i32
      %sign3A_69 = arith.cmpi slt, %jit3A, %sign3A_68 : i32
      %sign3A_70 = arith.extui %sign3A_69 : i1 to i32
      %sign3A_71 = arith.subi %sign3A_67, %sign3A_70 : i32
      %ne3A = arith.cmpi ne, %sign3A_64, %sign3A_71 : i32
      %rem3A = arith.remsi %add3A_58, %jit3A : i32
      %ne3A_72 = arith.constant 0 : i32
      %ne3A_73 = arith.cmpi ne, %rem3A, %ne3A_72 : i32
      %and3A = arith.andi %ne3A, %ne3A_73 : i1
      %sub3A_74 = arith.constant 1 : i32
      %sub3A_75 = arith.subi %div3A, %sub3A_74 : i32
      %select_n3A = arith.select %and3A, %sub3A_75, %div3A : i32
      %multiple_of3A_76 = tpu.assume_multiple %select_n3A, 8 : i32
      "tpu.region"() ({
        %run_scoped3A = tpu.sem_alloc : memref<!tpu.dma_semaphore, #tpu.memory_space<semaphore_mem>>
        %dma_start3A = tpu.memref_slice %arg2[%multiple_of3A] : memref<8388608xf32, #tpu.memory_space<hbm>> -> memref<32768xf32, #tpu.memory_space<hbm>>
        %dma_start3A_83 = tpu.memref_slice %arg2[%multiple_of3A] : memref<8388608xf32, #tpu.memory_space<hbm>> -> memref<32768xf32, #tpu.memory_space<hbm>>
        tpu.enqueue_dma source(%dma_start3A_83 : memref<32768xf32, #tpu.memory_space<hbm>>) target(%arg6 : memref<32768xf32, #tpu.memory_space<vmem>>) target_semaphore(%run_scoped3A : memref<!tpu.dma_semaphore, #tpu.memory_space<semaphore_mem>>)
        %dma_wait3A = tpu.memref_slice %arg2[%multiple_of3A] : memref<8388608xf32, #tpu.memory_space<hbm>> -> memref<32768xf32, #tpu.memory_space<hbm>>
        %dma_wait3A_84 = tpu.memref_slice %arg2[%multiple_of3A] : memref<8388608xf32, #tpu.memory_space<hbm>> -> memref<32768xf32, #tpu.memory_space<hbm>>
        tpu.wait_dma2 semaphore(%run_scoped3A : memref<!tpu.dma_semaphore, #tpu.memory_space<semaphore_mem>>) src(%dma_wait3A_84 : memref<32768xf32, #tpu.memory_space<hbm>>) dst(%arg6 : memref<32768xf32, #tpu.memory_space<vmem>>)
        tpu.yield
      }) : () -> ()
      "tpu.region"() ({
        %run_scoped3A = tpu.sem_alloc : memref<!tpu.dma_semaphore, #tpu.memory_space<semaphore_mem>>
        %dma_start3A = tpu.memref_slice %arg3[%multiple_of3A] : memref<8388608xf32, #tpu.memory_space<hbm>> -> memref<32768xf32, #tpu.memory_space<hbm>>
        %dma_start3A_83 = tpu.memref_slice %arg3[%multiple_of3A] : memref<8388608xf32, #tpu.memory_space<hbm>> -> memref<32768xf32, #tpu.memory_space<hbm>>
        tpu.enqueue_dma source(%dma_start3A_83 : memref<32768xf32, #tpu.memory_space<hbm>>) target(%arg7 : memref<32768xf32, #tpu.memory_space<vmem>>) target_semaphore(%run_scoped3A : memref<!tpu.dma_semaphore, #tpu.memory_space<semaphore_mem>>)
        %dma_wait3A = tpu.memref_slice %arg3[%multiple_of3A] : memref<8388608xf32, #tpu.memory_space<hbm>> -> memref<32768xf32, #tpu.memory_space<hbm>>
        %dma_wait3A_84 = tpu.memref_slice %arg3[%multiple_of3A] : memref<8388608xf32, #tpu.memory_space<hbm>> -> memref<32768xf32, #tpu.memory_space<hbm>>
        tpu.wait_dma2 semaphore(%run_scoped3A : memref<!tpu.dma_semaphore, #tpu.memory_space<semaphore_mem>>) src(%dma_wait3A_84 : memref<32768xf32, #tpu.memory_space<hbm>>) dst(%arg7 : memref<32768xf32, #tpu.memory_space<vmem>>)
        tpu.yield
      }) : () -> ()
      "tpu.region"() ({
        %run_scoped3A = tpu.sem_alloc : memref<!tpu.dma_semaphore, #tpu.memory_space<semaphore_mem>>
        %dma_start3A = arith.constant 0 : i32
        %dma_start3A_83 = tpu.memref_slice %arg8[%dma_start3A] : memref<4112xi32, #tpu.memory_space<vmem>> -> memref<4096xi32, #tpu.memory_space<vmem>>
        %dma_start3A_84 = tpu.memref_slice %arg4[%multiple_of3A_76] : memref<1048576xi32, #tpu.memory_space<hbm>> -> memref<4096xi32, #tpu.memory_space<hbm>>
        %dma_start3A_85 = arith.constant 0 : i32
        %dma_start3A_86 = tpu.memref_slice %arg8[%dma_start3A_85] : memref<4112xi32, #tpu.memory_space<vmem>> -> memref<4096xi32, #tpu.memory_space<vmem>>
        %dma_start3A_87 = tpu.memref_slice %arg4[%multiple_of3A_76] : memref<1048576xi32, #tpu.memory_space<hbm>> -> memref<4096xi32, #tpu.memory_space<hbm>>
        tpu.enqueue_dma source(%dma_start3A_87 : memref<4096xi32, #tpu.memory_space<hbm>>) target(%dma_start3A_86 : memref<4096xi32, #tpu.memory_space<vmem>>) target_semaphore(%run_scoped3A : memref<!tpu.dma_semaphore, #tpu.memory_space<semaphore_mem>>)
        %dma_wait3A = arith.constant 0 : i32
        %dma_wait3A_88 = tpu.memref_slice %arg8[%dma_wait3A] : memref<4112xi32, #tpu.memory_space<vmem>> -> memref<4096xi32, #tpu.memory_space<vmem>>
        %dma_wait3A_89 = tpu.memref_slice %arg4[%multiple_of3A_76] : memref<1048576xi32, #tpu.memory_space<hbm>> -> memref<4096xi32, #tpu.memory_space<hbm>>
        %dma_wait3A_90 = arith.constant 0 : i32
        %dma_wait3A_91 = tpu.memref_slice %arg8[%dma_wait3A_90] : memref<4112xi32, #tpu.memory_space<vmem>> -> memref<4096xi32, #tpu.memory_space<vmem>>
        %dma_wait3A_92 = tpu.memref_slice %arg4[%multiple_of3A_76] : memref<1048576xi32, #tpu.memory_space<hbm>> -> memref<4096xi32, #tpu.memory_space<hbm>>
        tpu.wait_dma2 semaphore(%run_scoped3A : memref<!tpu.dma_semaphore, #tpu.memory_space<semaphore_mem>>) src(%dma_wait3A_92 : memref<4096xi32, #tpu.memory_space<hbm>>) dst(%dma_wait3A_91 : memref<4096xi32, #tpu.memory_space<vmem>>)
        tpu.yield
      }) : () -> ()
      %scan3A_77 = arith.constant 0 : i32
      %scan3A_78 = arith.constant 1024 : i32
      %scan3A_79 = arith.addi %scan3A_77, %scan3A_78 : i32
      %scan3A_80 = arith.constant 1 : i32
      %scan3A_81 = scf.for %scan3A_83 = %scan3A_77 to %scan3A_79 step %scan3A_80 iter_args(%scan3A_84 = %scan3A_52) -> (vector<16xf32>)  : i32 {
        %jit3A_85 = arith.constant 8 : i32
        %div3A_86 = arith.divsi %scan3A_83, %jit3A_85 : i32
        %sign3A_87 = arith.constant 0 : i32
        %sign3A_88 = arith.cmpi sgt, %scan3A_83, %sign3A_87 : i32
        %sign3A_89 = arith.extui %sign3A_88 : i1 to i32
        %sign3A_90 = arith.constant 0 : i32
        %sign3A_91 = arith.cmpi slt, %scan3A_83, %sign3A_90 : i32
        %sign3A_92 = arith.extui %sign3A_91 : i1 to i32
        %sign3A_93 = arith.subi %sign3A_89, %sign3A_92 : i32
        %sign3A_94 = arith.constant 0 : i32
        %sign3A_95 = arith.cmpi sgt, %jit3A_85, %sign3A_94 : i32
        %sign3A_96 = arith.extui %sign3A_95 : i1 to i32
        %sign3A_97 = arith.constant 0 : i32
        %sign3A_98 = arith.cmpi slt, %jit3A_85, %sign3A_97 : i32
        %sign3A_99 = arith.extui %sign3A_98 : i1 to i32
        %sign3A_100 = arith.subi %sign3A_96, %sign3A_99 : i32
        %ne3A_101 = arith.cmpi ne, %sign3A_93, %sign3A_100 : i32
        %rem3A_102 = arith.remsi %scan3A_83, %jit3A_85 : i32
        %ne3A_103 = arith.constant 0 : i32
        %ne3A_104 = arith.cmpi ne, %rem3A_102, %ne3A_103 : i32
        %and3A_105 = arith.andi %ne3A_101, %ne3A_104 : i1
        %sub3A_106 = arith.constant 1 : i32
        %sub3A_107 = arith.subi %div3A_86, %sub3A_106 : i32
        %select_n3A_108 = arith.select %and3A_105, %sub3A_107, %div3A_86 : i32
        %jit3A_109 = arith.constant 8 : i32
        %eq3A = arith.constant 0 : i32
        %eq3A_110 = arith.cmpi eq, %jit3A_109, %eq3A : i32
        %jit3A_111 = arith.constant 1 : i32
        %select_n3A_112 = arith.select %eq3A_110, %jit3A_111, %jit3A_109 : i32
        %rem3A_113 = arith.remsi %scan3A_83, %select_n3A_112 : i32
        %ne3A_114 = arith.constant 0 : i32
        %ne3A_115 = arith.cmpi ne, %rem3A_113, %ne3A_114 : i32
        %lt3A = arith.constant 0 : i32
        %lt3A_116 = arith.cmpi slt, %rem3A_113, %lt3A : i32
        %lt3A_117 = arith.constant 0 : i32
        %lt3A_118 = arith.cmpi slt, %select_n3A_112, %lt3A_117 : i32
        %ne3A_119 = arith.xori %lt3A_116, %lt3A_118 : i1
        %and3A_120 = arith.andi %ne3A_119, %ne3A_115 : i1
        %add3A_121 = arith.addi %rem3A_113, %select_n3A_112 : i32
        %select_n3A_122 = arith.select %and3A_120, %add3A_121, %rem3A_113 : i32
        %mul3A_123 = arith.constant 256 : i32
        %mul3A_124 = arith.muli %select_n3A_108, %mul3A_123 : i32
        %mul3A_125 = arith.constant 16 : i32
        %mul3A_126 = arith.muli %mul3A_125, %select_n3A_122 : i32
        %add3A_127 = arith.addi %mul3A_124, %mul3A_126 : i32
        %get3A = arith.index_cast %add3A_127 : i32 to index
        %get3A_128 = tpu.vector_load %arg6[%get3A] {strides = array<i32>} : memref<32768xf32, #tpu.memory_space<vmem>>, vector<16xf32>,
        %get3A_129 = vector.shape_cast %get3A_128 : vector<16xf32> to vector<16xf32>
        %get3A_130 = arith.index_cast %add3A_127 : i32 to index
        %get3A_131 = tpu.vector_load %arg7[%get3A_130] {strides = array<i32>} : memref<32768xf32, #tpu.memory_space<vmem>>, vector<16xf32>,
        %get3A_132 = vector.shape_cast %get3A_131 : vector<16xf32> to vector<16xf32>
        %add3A_133 = arith.constant 128 : i32
        %add3A_134 = arith.addi %add3A_127, %add3A_133 : i32
        %get3A_135 = arith.index_cast %add3A_134 : i32 to index
        %get3A_136 = tpu.vector_load %arg6[%get3A_135] {strides = array<i32>} : memref<32768xf32, #tpu.memory_space<vmem>>, vector<16xf32>,
        %get3A_137 = vector.shape_cast %get3A_136 : vector<16xf32> to vector<16xf32>
        %add3A_138 = arith.constant 128 : i32
        %add3A_139 = arith.addi %add3A_127, %add3A_138 : i32
        %get3A_140 = arith.index_cast %add3A_139 : i32 to index
        %get3A_141 = tpu.vector_load %arg7[%get3A_140] {strides = array<i32>} : memref<32768xf32, #tpu.memory_space<vmem>>, vector<16xf32>,
        %get3A_142 = vector.shape_cast %get3A_141 : vector<16xf32> to vector<16xf32>
        %mul3A_143 = arith.constant 32 : i32
        %mul3A_144 = arith.muli %select_n3A_108, %mul3A_143 : i32
        %mul3A_145 = arith.constant 4 : i32
        %mul3A_146 = arith.muli %mul3A_145, %select_n3A_122 : i32
        %add3A_147 = arith.addi %mul3A_144, %mul3A_146 : i32
        %get3A_148 = arith.index_cast %add3A_147 : i32 to index
        %get3A_149 = tpu.vector_load %arg8[%get3A_148] {strides = array<i32>} : memref<4112xi32, #tpu.memory_space<vmem>>, vector<16xi32>,
        %get3A_150 = vector.shape_cast %get3A_149 : vector<16xi32> to vector<16xi32>
        %shift_right_arithmetic3A_151 = arith.constant 2 : i32
        %shift_right_arithmetic3A_152 = vector.broadcast %shift_right_arithmetic3A_151 : i32 to vector<16xi32>
        %shift_right_arithmetic3A_153 = arith.shrsi %iota3A, %shift_right_arithmetic3A_152 : vector<16xi32>
        %slice3A = vector.extract_strided_slice %get3A_150 {offsets = [0], sizes = [1], strides = [1]} : vector<16xi32> to vector<1xi32>
        %squeeze3A = vector.extract %slice3A[0] : i32 from vector<1xi32>
        %mul3A_154 = vector.broadcast %squeeze3A : i32 to vector<16xi32>
        %mul3A_155 = arith.muli %mul3A_154, %sub3A_11 : vector<16xi32>
        %slice3A_156 = vector.extract_strided_slice %get3A_150 {offsets = [1], sizes = [1], strides = [1]} : vector<16xi32> to vector<1xi32>
        %squeeze3A_157 = vector.extract %slice3A_156[0] : i32 from vector<1xi32>
        %mul3A_158 = vector.broadcast %squeeze3A_157 : i32 to vector<16xi32>
        %mul3A_159 = arith.muli %mul3A_158, %sub3A_21 : vector<16xi32>
        %add3A_160 = arith.addi %mul3A_155, %mul3A_159 : vector<16xi32>
        %slice3A_161 = vector.extract_strided_slice %get3A_150 {offsets = [2], sizes = [1], strides = [1]} : vector<16xi32> to vector<1xi32>
        %squeeze3A_162 = vector.extract %slice3A_161[0] : i32 from vector<1xi32>
        %mul3A_163 = vector.broadcast %squeeze3A_162 : i32 to vector<16xi32>
        %mul3A_164 = arith.muli %mul3A_163, %sub3A_31 : vector<16xi32>
        %add3A_165 = arith.addi %add3A_160, %mul3A_164 : vector<16xi32>
        %slice3A_166 = vector.extract_strided_slice %get3A_150 {offsets = [3], sizes = [1], strides = [1]} : vector<16xi32> to vector<1xi32>
        %squeeze3A_167 = vector.extract %slice3A_166[0] : i32 from vector<1xi32>
        %mul3A_168 = vector.broadcast %squeeze3A_167 : i32 to vector<16xi32>
        %mul3A_169 = arith.muli %mul3A_168, %sub3A_41 : vector<16xi32>
        %add3A_170 = arith.addi %add3A_165, %mul3A_169 : vector<16xi32>
        %and3A_171 = arith.constant 3 : i32
        %and3A_172 = vector.broadcast %and3A_171 : i32 to vector<16xi32>
        %and3A_173 = arith.andi %iota3A, %and3A_172 : vector<16xi32>
        %shift_left3A = arith.constant 3 : i32
        %shift_left3A_174 = vector.broadcast %shift_left3A : i32 to vector<16xi32>
        %shift_left3A_175 = arith.shli %and3A_173, %shift_left3A_174 : vector<16xi32>
        %shift_right_arithmetic3A_176 = arith.shrsi %add3A_170, %shift_left3A_175 : vector<16xi32>
        %and3A_177 = arith.constant 1 : i32
        %and3A_178 = vector.broadcast %and3A_177 : i32 to vector<16xi32>
        %and3A_179 = arith.andi %shift_right_arithmetic3A_176, %and3A_178 : vector<16xi32>
        %convert_element_type3A = arith.sitofp %and3A_179 : vector<16xi32> to vector<16xf32>
        %sub3A_180 = arith.subf %get3A_129, %get3A_132 : vector<16xf32>
        %abs3A_181 = math.absf %sub3A_180 : vector<16xf32>
        %sub3A_182 = arith.subf %get3A_137, %get3A_142 : vector<16xf32>
        %abs3A_183 = math.absf %sub3A_182 : vector<16xf32>
        %add3A_184 = arith.addf %abs3A_181, %abs3A_183 : vector<16xf32>
        %mul3A_185 = arith.mulf %add3A_184, %convert_element_type3A : vector<16xf32>
        %add3A_186 = arith.addf %scan3A_84, %mul3A_185 : vector<16xf32>
        scf.yield %add3A_186 : vector<16xf32>
      }
      %scan3A_82 = arith.constant 1024 : i32
      scf.yield %scan3A_81 : vector<16xf32>
    }
    %scan3A_47 = arith.constant 8 : i32
    %swap3A = arith.constant 0 : index
    %swap3A_48 = tpu.vector_load %arg9[%swap3A] {strides = array<i32>} : memref<16xf32, #tpu.memory_space<vmem>>, vector<16xf32>,
    %swap3A_49 = vector.shape_cast %swap3A_48 : vector<16xf32> to vector<16xf32>
    %swap3A_50 = vector.shape_cast %scan3A_46 : vector<16xf32> to vector<16xf32>
    tpu.vector_store %arg9[%swap3A], %swap3A_50 {strides = array<i32>} : memref<16xf32, #tpu.memory_space<vmem>>, vector<16xf32>,
    "tpu.region"() ({
      %run_scoped3A = tpu.sem_alloc : memref<!tpu.dma_semaphore, #tpu.memory_space<semaphore_mem>>
      %dma_start3A = arith.constant 0 : i32
      %dma_start3A_51 = tpu.memref_slice %arg5[%add3A, %dma_start3A] : memref<32x16xf32, #tpu.memory_space<hbm>> -> memref<1x16xf32, #tpu.memory_space<hbm>>
      %dma_start3A_52 = tpu.memref_squeeze %dma_start3A_51 : memref<1x16xf32, #tpu.memory_space<hbm>> -> memref<16xf32, #tpu.memory_space<hbm>>
      %dma_start3A_53 = arith.constant 0 : i32
      %dma_start3A_54 = tpu.memref_slice %arg5[%add3A, %dma_start3A_53] : memref<32x16xf32, #tpu.memory_space<hbm>> -> memref<1x16xf32, #tpu.memory_space<hbm>>
      %dma_start3A_55 = tpu.memref_squeeze %dma_start3A_54 : memref<1x16xf32, #tpu.memory_space<hbm>> -> memref<16xf32, #tpu.memory_space<hbm>>
      tpu.enqueue_dma source(%arg9 : memref<16xf32, #tpu.memory_space<vmem>>) target(%dma_start3A_55 : memref<16xf32, #tpu.memory_space<hbm>>) target_semaphore(%run_scoped3A : memref<!tpu.dma_semaphore, #tpu.memory_space<semaphore_mem>>)
      %dma_wait3A = arith.constant 0 : i32
      %dma_wait3A_56 = tpu.memref_slice %arg5[%add3A, %dma_wait3A] : memref<32x16xf32, #tpu.memory_space<hbm>> -> memref<1x16xf32, #tpu.memory_space<hbm>>
      %dma_wait3A_57 = tpu.memref_squeeze %dma_wait3A_56 : memref<1x16xf32, #tpu.memory_space<hbm>> -> memref<16xf32, #tpu.memory_space<hbm>>
      %dma_wait3A_58 = arith.constant 0 : i32
      %dma_wait3A_59 = tpu.memref_slice %arg5[%add3A, %dma_wait3A_58] : memref<32x16xf32, #tpu.memory_space<hbm>> -> memref<1x16xf32, #tpu.memory_space<hbm>>
      %dma_wait3A_60 = tpu.memref_squeeze %dma_wait3A_59 : memref<1x16xf32, #tpu.memory_space<hbm>> -> memref<16xf32, #tpu.memory_space<hbm>>
      tpu.wait_dma2 semaphore(%run_scoped3A : memref<!tpu.dma_semaphore, #tpu.memory_space<semaphore_mem>>) src(%arg9 : memref<16xf32, #tpu.memory_space<vmem>>) dst(%dma_wait3A_60 : memref<16xf32, #tpu.memory_space<hbm>>)
      tpu.yield
    }) : () -> ()
    return
  }
}

</mosaic_0001>

<sc_bundles>
// kernel: kernel.3.cloned.1.call-start
scs
__scs_entry_jumppad:
0x0: {  	(pc) =	sbr.rel $0x88, $3  }
0x1: {  	(tag) =	ssettag $0x0;
	lr =	simm.s32 $0x1  }
0x2: {  	[smem:$0x3F9E] =	sst lr;
	_ =	strace $0xD0000000  }
0x3: {  	_ = 	snop  }
0x4: {  	_ = 	snop  }
0x5: {  	_ = 	snop  }
0x6: {  	_ = 	snop  }
0x7: {  	_ = 	snop  }
__scs_overlays_trampoline_lowered:
0x8: {  	[smem:$0x3FAD] =	sst s0  }
0x9: {  	[smem:$0x3FAE] =	sst s1  }
0xa: {  	[smem:$0x3FAF] =	sst s2  }
0xb: {  	[smem:$0x3FB0] =	sst s3  }
0xc: {  	[smem:$0x3FB1] =	sst s4  }
0xd: {  	[smem:$0x3FB2] =	sst s5  }
0xe: {  	[smem:$0x3FB3] =	sst s6  }
0xf: {  	[smem:$0x3FB4] =	sst s7  }
0x10: {  	[smem:$0x3FB5] =	sst s8  }
0x11: {  	[smem:$0x3FB6] =	sst s9;
	s0 =	simm.s32 @!p0 $0x0  }
0x12: {  	s1 =	sld [smem:$0x3F9C];
	s0 =	simm.s32 @p0 $0x1  }
0x13: {  	[smem:$0x3FB7] =	sst s0;
	s0 =	simm.s32 @!p1 $0x0  }
0x14: {  	s2 =	sld [smem:$0x3F9B];
	s0 =	simm.s32 @p1 $0x1  }
0x15: {  	[smem:$0x3FB8] =	sst s0;
	s0 =	simm.s32 @!p2 $0x0  }
0x16: {  	s3 =	sld [smem:$0x3FDB];
	s0 =	simm.s32 @p2 $0x1  }
0x17: {  	s4 =	simm.s32 $0x1BF5;
	[smem:$0x3FBA] =	sst s0  }
0x18: {  	s0 =	sld [smem:$0x3F9D];
	_ =	swait.ge [sflag:s4], $0x0  }
0x19: {  	s7 =	sld [smem:$0x3F9E]  }
0x1a: {  	s8 =	sadd.s32 $0xFFFFE003, lr  }
0x1b: {  	s9 =	sadd.s32 $0xFFFFFEF7, lr;
	s5 =	simm.s32 $0xFFFFFFFF;
	p2 =	slt.u32 s8, $0xFFFFF086  }
0x1c: {  	p1 =	slt.u32 s9, $0xF7A;
	s5 =	simm.s32 @!p2 $0x0  }
0x1d: {  	s5 =	simm.s32 @p1 $0x1;
	p0 =	seq.s32 s7, s2  }
0x1e: {  	s7 =	smul.u32 @!p0 $0xF7A, s2;
	p2 =	seq.s32 @!p0 s5, $0x0  }
0x1f: {  	s9 =	smul.u32 $0xF7A, s1;
	s8 =	simm.s32 @!p0 $0x1BF5;
	p2 =	por !p2, p0  }
0x20: {  	[sflag:s8] =	ssyncset.s32 @!p0 $0xFFFFF086;
	s6 =	sadd.s32 @!p0 s3, s7;
	s7 =	simm.s32 @!p0 $0x108  }
0x21: {  	s3 =	sadd.s32 s3, s9;
	s6 =	sadd.s32 @!p0 $0x88, s6;
	s7 =	simm.s32 @p2 $0x1082  }
0x22: {  	[simem:s7], [sflag:s8] =	dma.local @!p0 [hbm:s6], $0xF7A  }
0x23: {  	s9 =	sor.u32 $0xD0000000, s2;
	s6 =	simm.s32 $0x108;
	_ =	swait.ge @!p0 [sflag:s8], $0x0  }
0x24: {  	s3 =	sadd.s32 $0x88, s3;
	s6 =	simm.s32 @!p1 $0x1082;
	[sflag:s4] =	ssyncset.s32 $0xFFFFF086  }
0x25: {  	[simem:s6], [sflag:s4] =	dma.local [hbm:s3], $0xF7A  }
0x26: {  	[smem:$0x3F9E] =	sst s1;
	(tag) =	ssettag s2;
	_ =	strace s9  }
0x27: {  	s1 =	sld [smem:$0x3FAE]  }
0x28: {  	s2 =	sld [smem:$0x3FAF]  }
0x29: {  	s4 =	sld [smem:$0x3FB1]  }
0x2a: {  	p0 =	seq.s32 s5, $0x0;
	s5 =	sld [smem:$0x3FB2]  }
0x2b: {  	s6 =	sld [smem:$0x3FB3]  }
0x2c: {  	s7 =	sld [smem:$0x3FB4]  }
0x2d: {  	s3 =	simm.s32 $0x108;
	s8 =	sld [smem:$0x3FB5]  }
0x2e: {  	s3 =	simm.s32 @!p0 $0x1082;
	s9 =	sld [smem:$0x3FB6]  }
0x2f: {  	lr =	sadd.s32 s0, s3;
	s0 =	sld [smem:$0x3FAD]  }
0x30: {  	s3 =	sld [smem:$0x3FB0]  }
0x31: {  	[smem:$0x3FB9] =	sst s10  }
0x32: {  	s10 =	sld [smem:$0x3FB7];
	_ =	sdelay $0x3  }
0x33: {  	p0 =	seq.s32 s10, $0x1;
	s10 =	sld [smem:$0x3FB9];
	_ =	sdelay $0x3  }
0x34: {  	[smem:$0x3FB9] =	sst s10  }
0x35: {  	s10 =	sld [smem:$0x3FB8];
	_ =	sdelay $0x3  }
0x36: {  	p1 =	seq.s32 s10, $0x1;
	s10 =	sld [smem:$0x3FB9];
	_ =	sdelay $0x3  }
0x37: {  	[smem:$0x3FB9] =	sst s10  }
0x38: {  	s10 =	sld [smem:$0x3FBA]  }
0x39: {  	_ = 	snop;
	(pc) =	sbr.ind lr, $3  }
0x3a: {  	_ = 	snop  }
0x3b: {  	_ = 	snop  }
0x3c: {  	p2 =	seq.s32 s10, $0x1;
	s10 =	sld [smem:$0x3FB9]  }
0x3d: {  	_ =	shalt  }
0x3e: {  	_ =	shalt  }
0x3f: {  	_ =	shalt  }
0x40: {  	_ =	shalt  }
0x41: {  	_ =	shalt  }
0x42: {  	_ =	shalt  }
0x43: {  	_ =	shalt  }
0x44: {  	_ =	shalt  }
0x45: {  	_ =	shalt  }
0x46: {  	_ =	shalt  }
0x47: {  	_ =	shalt  }
0x48: {  	_ =	shalt  }
0x49: {  	_ =	shalt  }
0x4a: {  	_ =	shalt  }
0x4b: {  	_ =	shalt  }
0x4c: {  	_ =	shalt  }
0x4d: {  	_ =	shalt  }
0x4e: {  	_ =	shalt  }
0x4f: {  	_ =	shalt  }
0x50: {  	_ =	shalt  }
0x51: {  	_ =	shalt  }
0x52: {  	_ =	shalt  }
0x53: {  	_ =	shalt  }
0x54: {  	_ =	shalt  }
0x55: {  	_ =	shalt  }
0x56: {  	_ =	shalt  }
0x57: {  	_ =	shalt  }
0x58: {  	_ =	shalt  }
0x59: {  	_ =	shalt  }
0x5a: {  	_ =	shalt  }
0x5b: {  	_ =	shalt  }
0x5c: {  	_ =	shalt  }
0x5d: {  	_ =	shalt  }
0x5e: {  	_ =	shalt  }
0x5f: {  	_ =	shalt  }
0x60: {  	_ =	shalt  }
0x61: {  	_ =	shalt  }
0x62: {  	_ =	shalt  }
0x63: {  	_ =	shalt  }
0x64: {  	_ =	shalt  }
0x65: {  	_ =	shalt  }
0x66: {  	_ =	shalt  }
0x67: {  	_ =	shalt  }
0x68: {  	_ =	shalt  }
0x69: {  	_ =	shalt  }
0x6a: {  	_ =	shalt  }
0x6b: {  	_ =	shalt  }
0x6c: {  	_ =	shalt  }
0x6d: {  	_ =	shalt  }
0x6e: {  	_ =	shalt  }
0x6f: {  	_ =	shalt  }
0x70: {  	_ =	shalt  }
0x71: {  	_ =	shalt  }
0x72: {  	_ =	shalt  }
0x73: {  	_ =	shalt  }
0x74: {  	_ =	shalt  }
0x75: {  	_ =	shalt  }
0x76: {  	_ =	shalt  }
0x77: {  	_ =	shalt  }
0x78: {  	_ =	shalt  }
0x79: {  	_ =	shalt  }
0x7a: {  	_ =	shalt  }
0x7b: {  	_ =	shalt  }
0x7c: {  	_ =	shalt  }
0x7d: {  	_ =	shalt  }
0x7e: {  	_ =	shalt  }
0x7f: {  	_ =	shalt  }
0x80: {  	_ =	shalt  }
0x81: {  	_ =	shalt  }
0x82: {  	_ =	shalt  }
0x83: {  	_ =	shalt  }
0x84: {  	_ =	shalt  }
0x85: {  	_ =	shalt  }
0x86: {  	_ =	shalt  }
0x87: {  	_ =	shalt  }
.Lfunc_end0:
.L_simem_size_0:
called_computation_lowered:
.L_overlay_start_0:
0x88: {  	s2 =	sld [smem:$0x3FD9]  }
0x89: {  	s3 =	sld [smem:$0x3FFE];
	_ =	sdelay $0x1  }
0x8a: {  	s1 =	srdreg.scid  }
0x8b: {  	s0 =	sand.u32 $0x1, s1  }
0x8c: {  	s17 =	sshll.u32 s0, $0xA;
	s2 =	sadd.s32 s3, s2  }
0x8d: {  	s2 =	sadd.s32 s2, s17  }
0x8e: {  	[smem:$0x3FC5] =	sst s2  }
0x8f: {  	_ = 	snop  }
0x90: {  	s2 =	sld [smem:$0x3FC9]  }
0x91: {  	s18 =	sld [smem:$0x3FC8];
	(tm) =	ssettm $0x1  }
0x92: {  	s4 =	sld [smem:$0x3FFB];
	_ =	sdelay $0x3  }
0x93: {  	_ =	strace s4  }
0x94: {  	s4 =	sld [smem:$0x3FFC];
	_ =	sdelay $0x3  }
0x95: {  	_ =	strace s4  }
0x96: {  	s4 =	sld [smem:$0x3FFD];
	_ =	sdelay $0x3  }
0x97: {  	_ =	strace s4  }
0x98: {  	_ =	strace $0x8FFFFFFF  }
0x99: {  	s19 =	sld [smem:$0x3FDB];
	_ =	sdelay $0x1  }
0x9a: {  	s5 =	simm.s32 $_scs_section_size  }
0x9b: {  	s6 =	simm.s32 $_size__tile_overlayer_lowered;
	s7 =	simm.s32 $_tile_overlayer_lowered  }
0x9c: {  	s22 =	simm.s32 $0x1BFF;
	s21 =	sshll.u32 s7, $0x1;
	s4 =	sadd.s32 s5, s19  }
0x9d: {  	s8 =	simm.s32 $0x0;
	s20 =	sshll.u32 s6, $0x1;
	s6 =	sadd.s32 s21, s4  }
0x9e: {  	[timem:s8], [sflag:s22] =	dma.local [hbm:s6], s20  }
0x9f: {  	_ =	swait.ge [sflag:s22], s20  }
0xa0: {  	s5 =	ssub.s32 $0x0, s20;
	[sflag:s22] =	ssyncset.done $0x0  }
0xa1: {  	[sflag:s22] =	ssyncadd.s32 s5;
	_ =	sdelay $0x1  }
0xa2: {  	s23 =	simm.s32 $0x1B8B  }
0xa3: {  	_ =	swait.ge [sflag:s23], $0x1  }
0xa4: {  	[sflag:s23] =	ssyncset.done $0x0  }
0xa5: {  	s25 =	simm.s32 $0x1B8E;
	s24 =	sld [smem:$0x3FFE];
	[sflag:s23] =	ssyncadd.s32 $0xFFFFFFFF  }
0xa6: {  	s26 =	simm.s32 $execute0_lowered;
	[smem:$0x3FD2] =	sst s25  }
0xa7: {  	s6 =	sshll.u32 s26, $0x1;
	_ =	strace $0x80000046;
	[dreg:$0x1] =	wrdreg $0xFFFFFFFF  }
0xa8: {  	s28 =	simm.s32 $_size_execute0_lowered;
	s4 =	sadd.s32 s4, s6;
	[dreg:$0x0] =	wrdreg $0x0  }
0xa9: {  	s6 =	sshll.u32 s28, $0x1;
	[dreg:$0x2] =	wrdreg s4  }
0xaa: {  	[dreg:$0x3] =	wrdreg s6  }
0xab: {  	[dreg:$0x4] =	wrdreg $0xC0  }
0xac: {  	_ =	task [dreg:s8], $0x5FFFF  }
0xad: {  	[dreg:$0x1] =	wrdreg $0xFFFFFFFF  }
0xae: {  	[dreg:$0x0] =	wrdreg $0x60  }
0xaf: {  	[dreg:$0x2] =	wrdreg s2  }
0xb0: {  	[dreg:$0x3] =	wrdreg s18  }
0xb1: {  	[dreg:$0x4] =	wrdreg s24  }
0xb2: {  	[dreg:$0x5] =	wrdreg $0x9  }
0xb3: {  	_ =	task.clear_ibuf [dreg:s8], $0x6FFFF;
	_ =	strace $0x90000046  }
0xb4: {  	s29 =	simm.s32 $0x9;
	_ =	strace $0x80000048  }
0xb5: {  	_ =	swait.ge [sflag:s29], $0x1  }
0xb6: {  	[sflag:s29] =	ssyncadd.s32 $0xFFFFFFFF  }
0xb7: {  	_ =	strace $0x90000048  }
0xb8: {  	_ =	sfence  }
0xb9: {  	s30 =	sld [smem:$0x0];
	_ =	sdelay $0x2  }
0xba: {  	s31 =	sshll.u32 s1, $0xD;
	s1 =	sshrl.u32 s1, $0x2  }
0xbb: {  	s3 =	sand.u32 $0x4000, s31;
	s1 =	sadd.s32 s1, s30  }
0xbc: {  	s0 =	sor.u32 s3, s0;
	s1 =	sshll.u32 s1, $0x11  }
0xbd: {  	s0 =	sor.u32 s1, s0  }
0xbe: {  	s0 =	sadd.s32 $0x8F2B, s0  }
0xbf: {  	[sflag:s0] =	ssyncadd.remote.s32 $0x1  }
0xc0: {  	_ =	sfence.sel $0xFFFF  }
0xc1: {  	[dreg:$0x0] =	wrdreg $0xFFFFFFFF;
	(pc) =	sbr.abs _section_cstart, $3  }
0xc2: {  	[dreg:$0x1] =	wrdreg $0xFFFFFFFF  }
0xc3: {  	_ =	task.clear_ibuf [dreg:s8], $0x2FFFF;
	_ =	strace $0x9FFFFFFF  }
0xc4: {  	(tm) =	ssettm $0x7FFFFFFF  }
0xc5: {  	_ =	shalt  }
tec
execute0_lowered:
.L_overlay_start_1:
0x0: {  	(tag) =	ssettag $0x1  }
0x1: {  	s1 =	rddreg [dreg:$0x0]  }
0x2: {  	s3 =	rddreg [dreg:$0x1]  }
0x3: {  	s2 =	srdreg.scid;
	s0 =	stileid.u32  }
0x4: {  	s4 =	rddreg [dreg:$0x2];
	s5 =	simm.s32 $0x0;
	s10 =	simm.s32 $0x8000  }
0x5: {  	s11 =	simm.s32 $0x10000;
	s12 =	simm.s32 $0x11080;
	s13 =	simm.s32 $0x0  }
0x6: {  	vm0 =	vcmask $0xF00;
	s6 =	sand.u32 $0x1, s2;
	s7 =	sshll.u32 s0, $0x1;
	s2 =	rddreg [dreg:$0x3]  }
0x7: {  	v2 =	vimm.s32 $0x0;
	vm14 =	vcmask $0x1F10;
	vm15 =	vcmask $0x2F20;
	[smem:$0x7FF] =	sst s5;
	s7 =	sor.u32 s6, s7;
	s6 =	ssub.s32 $0x2, s6  }
0x8: {  	v3 =	vlaneseq.u32;
	v4 =	vimm.s32 $0xFFFFFFFF;
	vm1 =	vcmask $0x2F00;
	_ =	strace $0x80000047;
	s8 =	sshll.u32 s7, $0x4;
	s9 =	sshrl.u32 s6, $0x1  }
0x9: {  	v0 =	vsel vm0, $0xFFFFFFFF, v2;
	v1 =	vsel vm14, $0xFFFFFFFF, v2;
	v5 =	vand.u32 $0x3, v3;
	s8 =	sadd.s32 s8, s4;
	s9 =	ssub.s32 s6, s9;
	s6 =	sshll.u32 s7, $0x12  }
0xa: {  	v2 =	vsel vm15, $0xFFFFFFFF, v2;
	v3 =	vsel vm1, $0x0, v4;
	v4 =	vmul.u32 $0x8, v5;
	s7 =	sadd.s32 $0x20000, s8;
	s8 =	smax.u32 s9, $0x1;
	s9 =	simm.s32 $0x1  }
.LBB2_1:
0xb: {  	v5 =	vimm.f32 $0.0e+00;
	s14 =	simm.s32 $0x0  }
.LBB2_2:
0xc: {  	s15 =	sshll.u32 s14, $0xF  }
0xd: {  	s15 =	sadd.s32 s6, s15  }
0xe: {  	s16 =	sshrl.u32 s15, $0x3  }
0xf: {  	s18 =	simm.s32 $0x0;
	s17 =	sadd.s32 s1, s16  }
0x10: {  	[tilespmem:s18], [sflag:$0x1] =	stream.linear.gather [hbm4b:s17+s18], $0x8000, $0x38;
	[tilespmem:$0x11100] =	vst v63  }
0x11: {  	_ =	swait.ge [sflag:s9], $0x8000  }
0x12: {  	[sflag:s9] =	ssyncset.done $0x0  }
0x13: {  	s16 =	sadd.s32 s3, s16;
	[sflag:s9] =	ssyncadd.s32 $0xFFFF8000  }
0x14: {  	[tilespmem:s10], [sflag:$0x1] =	stream.linear.gather [hbm4b:s16+s18], $0x8000, $0x38;
	[tilespmem:$0x11100] =	vst v63  }
0x15: {  	_ =	swait.ge [sflag:s9], $0x8000  }
0x16: {  	s15 =	sshrl.u32 s15, $0x6;
	[sflag:s9] =	ssyncset.done $0x0  }
0x17: {  	s15 =	sadd.s32 s4, s15;
	[sflag:s9] =	ssyncadd.s32 $0xFFFF8000  }
0x18: {  	[tilespmem:s11], [sflag:$0x1] =	stream.linear.gather [hbm4b:s15+s18], $0x1000, $0x38;
	[tilespmem:$0x11100] =	vst v63  }
0x19: {  	s23 =	simm.s32 $0x0;
	s22 =	sand.u32 $0x70, s18;
	_ =	swait.ge [sflag:s9], $0x1000  }
0x1a: {  	s24 =	sshrl.u32 s22, $0x2;
	s16 =	sand.u32 $0x3FFFFFE0, s23;
	[sflag:s9] =	ssyncset.done $0x0  }
0x1b: {  	s25 =	simm.s32 $0x0;
	s16 =	sor.u32 s24, s16;
	[sflag:s9] =	ssyncadd.s32 $0xFFFFF000  }
0x1c: {  	s26 =	sand.u32 $0xFFFFFF00, s25;
	v6 =	vld [tilespmem:s16+$0x10000]  }
0x1d: {  	s15 =	sor.u32 s22, s26  }
0x1e: {  	s28 =	simm.s32 $0x10;
	v7 =	vld [tilespmem:s15+$0x0]  }
0x1f: {  	s29 =	simm.s32 $0x4;
	s16 =	sand.u32 $0x70, s28;
	v8 =	vld [tilespmem:s15+$0x8000]  }
0x20: {  	s17 =	sand.u32 $0x3FFFFFE0, s29;
	v11 =	vld [tilespmem:s15+$0x80];
	s30 =	sshrl.u32 s16, $0x2  }
0x21: {  	v13 =	vld [tilespmem:s15+$0x8080];
	s17 =	sor.u32 s30, s17;
	v10 =	vbroadcast v6, $0x0;
	v12 =	vbroadcast v6, $0x1  }
0x22: {  	s31 =	simm.s32 $0x20;
	v9 =	vld [tilespmem:s17+$0x10000];
	v14 =	vbroadcast v6, $0x2  }
0x23: {  	s15 =	sand.u32 $0xFFFFFF00, s31;
	v15 =	vbroadcast v6, $0x3;
	v10 =	vand.u32 v0, v10;
	v12 =	vand.u32 v1, v12  }
0x24: {  	s18 =	sor.u32 s16, s15;
	v10 =	vadd.s32 v12, v10;
	v12 =	vand.u32 v2, v14  }
0x25: {  	s19 =	simm.s32 $0x8;
	s15 =	simm.s32 $0x20;
	v6 =	vld [tilespmem:s18+$0x0];
	v14 =	vand.u32 v3, v15;
	v12 =	vadd.s32 v12, v10  }
0x26: {  	s20 =	sand.u32 $0x3FFFFFE0, s19;
	s16 =	sand.u32 $0x70, s15;
	v13 =	vsub.f32 v11, v13;
	v10 =	vsub.f32 v7, v8;
	v7 =	vld [tilespmem:s18+$0x8000];
	v14 =	vadd.s32 v14, v12  }
0x27: {  	s19 =	simm.s32 $0x3;
	s17 =	simm.s32 $0x2;
	s21 =	sshrl.u32 s16, $0x2;
	v11 =	vbroadcast v9, $0x0;
	v8 =	vld [tilespmem:s18+$0x80];
	v12 =	vbroadcast v9, $0x1;
	v14 =	vshrl.u32 v14, v4  }
.LBB2_3:
0x28: {  	p0 =	sne.s32 s19, $0x3FF;
	s20 =	sor.u32 s21, s20;
	v15 =	vld [tilespmem:s18+$0x8080];
	v14 =	vand.u32 $0x1, v14;
	v10 =	vand.u32 $0x7FFFFFFF, v10;
	v13 =	vand.u32 $0x7FFFFFFF, v13  }
0x29: {  	s18 =	sshll.u32 s17, $0x5;
	v17 =	vbroadcast v9, $0x2;
	s17 =	smov.u32 s19;
	v16 =	vld [tilespmem:s20+$0x10000];
	v14 =	vcvt.s32.f32 v14;
	v10 =	vadd.f32 v13, v10  }
.Ltmp0:
0x2a: {  	v9 =	vbroadcast v9, $0x3;
	s18 =	sand.u32 $0xFFFFFF00, s18;
	v11 =	vand.u32 v0, v11;
	v12 =	vand.u32 v1, v12;
	(pc) =	sbr.rel @p0 .LBB2_3-.Ltmp0, $4  }
0x2b: {  	s18 =	sor.u32 s16, s18;
	v11 =	vadd.s32 v12, v11;
	v12 =	vand.u32 v2, v17;
	v14 =	vmul.f32 v14, v10  }
0x2c: {  	s15 =	sadd.s32 $0x10, s15;
	v18 =	vand.u32 v3, v9;
	v11 =	vadd.s32 v12, v11;
	v10 =	vsub.f32 v6, v7;
	v6 =	vld [tilespmem:s18+$0x0]  }
0x2d: {  	s20 =	sshll.u32 s19, $0x2;
	s16 =	sand.u32 $0x70, s15;
	v17 =	vadd.s32 v18, v11;
	v7 =	vld [tilespmem:s18+$0x8000];
	v13 =	vsub.f32 v8, v15;
	v5 =	vadd.f32 v14, v5  }
0x2e: {  	s19 =	sadd.s32 $0x1, s19;
	s20 =	sand.u32 $0x3FFFFFE0, s20;
	s21 =	sshrl.u32 s16, $0x2;
	v14 =	vshrl.u32 v17, v4;
	v8 =	vld [tilespmem:s18+$0x80];
	v11 =	vbroadcast v16, $0x0;
	v12 =	vbroadcast v16, $0x1;
	v9 =	vmovc v16  }
0x2f: {  	s15 =	sor.u32 s21, s20;
	v15 =	vld [tilespmem:s18+$0x8080];
	v14 =	vand.u32 $0x1, v14;
	v10 =	vand.u32 $0x7FFFFFFF, v10;
	s17 =	sshll.u32 s17, $0x5;
	v17 =	vbroadcast v9, $0x2  }
0x30: {  	v13 =	vand.u32 $0x7FFFFFFF, v13;
	v51 =	vbroadcast v9, $0x3;
	v16 =	vld [tilespmem:s15+$0x10000];
	v14 =	vcvt.s32.f32 v14;
	s31 =	sand.u32 $0xFFFFFF00, s17  }
0x31: {  	v10 =	vadd.f32 v13, v10;
	v11 =	vand.u32 v0, v11;
	v12 =	vand.u32 v1, v12;
	s15 =	sor.u32 s16, s31  }
0x32: {  	v11 =	vadd.s32 v12, v11;
	v52 =	vand.u32 v2, v17;
	v53 =	vld [tilespmem:s15+$0x0]  }
0x33: {  	v9 =	vand.u32 v3, v51;
	v10 =	vmul.f32 v14, v10;
	v11 =	vadd.s32 v52, v11;
	v54 =	vld [tilespmem:s15+$0x8000]  }
0x34: {  	v6 =	vsub.f32 v6, v7;
	v55 =	vld [tilespmem:s15+$0x80];
	v7 =	vadd.s32 v9, v11;
	v8 =	vsub.f32 v8, v15  }
0x35: {  	v58 =	vld [tilespmem:s15+$0x8080];
	v7 =	vshrl.u32 v7, v4;
	v56 =	vbroadcast v16, $0x0;
	v57 =	vbroadcast v16, $0x1  }
0x36: {  	v5 =	vadd.f32 v10, v5;
	v6 =	vand.u32 $0x7FFFFFFF, v6;
	v59 =	vbroadcast v16, $0x2  }
0x37: {  	v16 =	vbroadcast v16, $0x3;
	v11 =	vand.u32 v0, v56;
	v14 =	vand.u32 v1, v57  }
0x38: {  	v7 =	vand.u32 $0x1, v7;
	v10 =	vand.u32 v2, v59;
	v11 =	vadd.s32 v14, v11  }
0x39: {  	v8 =	vand.u32 $0x7FFFFFFF, v8;
	v60 =	vand.u32 v3, v16;
	v10 =	vadd.s32 v10, v11  }
0x3a: {  	v12 =	vsub.f32 v53, v54;
	v9 =	vsub.f32 v55, v58;
	v10 =	vadd.s32 v60, v10  }
0x3b: {  	s14 =	sadd.s32 $0x1, s14;
	v7 =	vcvt.s32.f32 v7;
	v6 =	vadd.f32 v8, v6;
	v61 =	vshrl.u32 v10, v4  }
0x3c: {  	p0 =	sne.s32 s14, $0x8;
	v62 =	vand.u32 $0x7FFFFFFF, v12;
	v9 =	vand.u32 $0x7FFFFFFF, v9;
	v8 =	vand.u32 $0x1, v61  }
.Ltmp1:
0x3d: {  	v6 =	vmul.f32 v7, v6;
	v63 =	vadd.f32 v9, v62;
	v7 =	vcvt.s32.f32 v8;
	(pc) =	sbr.rel @p0 .LBB2_2-.Ltmp1, $3  }
0x3e: {  	_ = 	snop  }
0x3f: {  	v5 =	vadd.f32 v6, v5;
	v6 =	vmul.f32 v7, v63;
	_ =	sdelay $0x1  }
0x40: {  	v5 =	vadd.f32 v6, v5  }
0x41: {  	s13 =	sadd.s32 $0x1, s13  }
0x42: {  	p0 =	sne.s32 s13, s8  }
.Ltmp2:
0x43: {  	[tilespmem:$0x11080] =	vst v5;
	(pc) =	sbr.rel @p0 .LBB2_1-.Ltmp2, $4  }
0x44: {  	[hbm4b:s7+s5] =	stream.linear.scatter [tilespmem:s12], [sflag:$0x1], $0x80, $0x38;
	[tilespmem:$0x11100] =	vst v63  }
0x45: {  	_ =	swait.ge [sflag:s9], $0x80  }
0x46: {  	[sflag:s9] =	ssyncset.done $0x0  }
0x47: {  	[sflag:s9] =	ssyncadd.s32 $0xFFFFFF80  }
0x48: {  	_ =	sfence.sel $0x180000  }
0x49: {  	[bflag:$0x0] =	sbarrier.arrive $0xFFFF  }
0x4a: {  	p0 =	sne.s32 s0, $0x0;
	_ =	strace $0x90000047  }
0x4b: {  	s0 =	sadd.s32 @!p0 $0x100000, s2;
	[bflag:$0x2] =	sbarrier.arrive $0xFFFF  }
0x4c: {  	[sflag:s0] =	ssyncadd.tile.s32 @!p0 $0x1;
	_ =	shalt  }
.Lfunc_end2:
_tile_overlayer_lowered:
.L_overlay_start_2:
0x4d: {  	(tag) =	ssettag $0x2  }
0x4e: {  	s0 =	rddreg [dreg:$0x0];
	s2 =	stileid.u32  }
0x4f: {  	s1 =	rddreg [dreg:$0x1];
	p0 =	sne.s32 s2, $0x0  }
0x50: {  	s3 =	rddreg [dreg:$0x2];
	[bflag:$0x3] =	sbarrier.arrive $0xFFFF;
	s2 =	simm.s32 @!p0 $0x1C01  }
0x51: {  	[timem:s3], [sflag:s2] =	dma.local @!p0 [hbm:s0], s1  }
0x52: {  	s0 =	simm.s32 @!p0 $0x1  }
0x53: {  	_ =	swait.ge @!p0 [sflag:s0], s1  }
0x54: {  	s1 =	ssub.s32 @!p0 $0x0, s1;
	[sflag:s0] =	ssyncset.done @!p0 $0x0  }
0x55: {  	[sflag:s0] =	ssyncadd.s32 @!p0 s1  }
0x56: {  	[bflag:$0x3] =	sbarrier.arrive $0xFFFF  }
0x57: {  	_ =	shalt  }

</sc_bundles>
